<compile_context>
chip_gen: v7x
topology: tpu7x:2x2x1
jax: 0.10.2.dev20260603
libtpu: 0.0.44.dev20260713+nightly
codegen_flags: <defaults>
</compile_context>

<pallas_src>
import functools

import jax
import jax.numpy as jnp
from jax import lax
from jax.experimental import pallas as pl
from jax.experimental.pallas import tpu as pltpu
from jax.experimental.pallas import tpu_sc as plsc

VOCAB = 32128
D_MODEL = 768
BATCH = 4
SEQ = 2048
TOTAL = BATCH * SEQ

NUM_CORES = 2
NUM_SUBCORES = 16
NUM_WORKERS = NUM_CORES * NUM_SUBCORES
PER_WORKER = TOTAL // NUM_WORKERS
W_PER_ROW = SEQ // PER_WORKER
CHUNK = 128
NUM_CHUNKS = PER_WORKER // CHUNK

_mesh = plsc.VectorSubcoreMesh(core_axis_name="c", subcore_axis_name="s")


@functools.partial(
    pl.kernel,
    mesh=_mesh,
    out_type=jax.ShapeDtypeStruct((TOTAL, D_MODEL), jnp.float32),
    scratch_types=[
        pltpu.VMEM((CHUNK,), jnp.int32),
        pltpu.VMEM((CHUNK, D_MODEL), jnp.float32),
        pltpu.SemaphoreType.DMA,
    ],
)
def _embed_gather(x_hbm, w_hbm, out_hbm, idx_v, rows_v, sem):
    wid = lax.axis_index("s") * NUM_CORES + lax.axis_index("c")
    b = wid // W_PER_ROW
    col = (wid % W_PER_ROW) * PER_WORKER
    base = wid * PER_WORKER
    for c in range(NUM_CHUNKS):
        pltpu.sync_copy(x_hbm.at[b, pl.ds(col + c * CHUNK, CHUNK)], idx_v)
        pltpu.async_copy(w_hbm.at[idx_v], rows_v, sem).wait()
        pltpu.sync_copy(rows_v, out_hbm.at[pl.ds(base + c * CHUNK, CHUNK)])


def kernel(x, embed_weight):
    out = _embed_gather(x.astype(jnp.int32), embed_weight)
    return out.reshape(BATCH, SEQ, D_MODEL)

# --- scband reference (transcript-rebuilt; emitter-appended) ---
"""Pipeline reference for scband-t5-text-embedder-64476049048151 (READ-ONLY COPY).

The authoritative reference and input builder live on the scoring server;
editing this copy changes nothing except your own understanding.
"""

import jax, jax.numpy as jnp
import numpy as np

VOCAB = 32128
D_MODEL = 768
BATCH = 4
SEQ = 2048

def setup_inputs(seed: int = 0) -> dict:
    key = jax.random.key(seed)
    k1, k2 = jax.random.split(key)
    x = jax.random.randint(k1, (BATCH, SEQ), 0, VOCAB, dtype=jnp.int64 if jax.config.jax_enable_x64 else jnp.int32)
    embed_weight = jax.random.normal(k2, (VOCAB, D_MODEL), dtype=jnp.float32)
    return {"x": x, "embed_weight": embed_weight}

def reference(x, embed_weight):
    # torch.nn.Embedding lookup: out[b, s, :] = embed_weight[x[b, s], :]
    return jnp.take(embed_weight, x, axis=0)

if __name__ == "__main__":
    import jax
    _d = setup_inputs()
    print(jax.jit(kernel)(*tuple(_d.values())))

</pallas_src>

<mosaic_0001>
#map = affine_map<(d0, d1) -> (0, 0)>
module attributes {stable_mosaic.version = 14 : i64} {
  func.func @_embed_gather(%arg0: i32, %arg1: i32, %arg2: memref<4x2048xi32, #tpu.memory_space<hbm>>, %arg3: memref<32128x768xf32, #tpu.memory_space<hbm>>, %arg4: memref<8192x768xf32, #tpu.memory_space<hbm>>, %arg5: memref<128xi32, #tpu.memory_space<vmem>>, %arg6: memref<128x768xf32, #tpu.memory_space<vmem>>, %arg7: memref<!tpu.dma_semaphore, #tpu.memory_space<semaphore_mem>>) attributes {dimension_semantics = [#tpu.dimension_semantics<core_parallel>, #tpu.dimension_semantics<subcore_parallel>], iteration_bounds = array<i64: 2, 16>, scalar_prefetch = 0 : i64, scratch_operands = 3 : i64, tpu.core_type = #tpu.core_type<sc_vector_subcore>, window_params = [{transform_indices = #map}, {transform_indices = #map}, {transform_indices = #map}]} {
    %mul3A = arith.constant 2 : i32
    %mul3A_0 = arith.muli %arg1, %mul3A : i32
    %add3A = arith.addi %mul3A_0, %arg0 : i32
    %jit3A = arith.constant 8 : i32
    %div3A = arith.divsi %add3A, %jit3A : i32
    %sign3A = arith.constant 0 : i32
    %sign3A_1 = arith.cmpi sgt, %add3A, %sign3A : i32
    %sign3A_2 = arith.extui %sign3A_1 : i1 to i32
    %sign3A_3 = arith.constant 0 : i32
    %sign3A_4 = arith.cmpi slt, %add3A, %sign3A_3 : i32
    %sign3A_5 = arith.extui %sign3A_4 : i1 to i32
    %sign3A_6 = arith.subi %sign3A_2, %sign3A_5 : i32
    %sign3A_7 = arith.constant 0 : i32
    %sign3A_8 = arith.cmpi sgt, %jit3A, %sign3A_7 : i32
    %sign3A_9 = arith.extui %sign3A_8 : i1 to i32
    %sign3A_10 = arith.constant 0 : i32
    %sign3A_11 = arith.cmpi slt, %jit3A, %sign3A_10 : i32
    %sign3A_12 = arith.extui %sign3A_11 : i1 to i32
    %sign3A_13 = arith.subi %sign3A_9, %sign3A_12 : i32
    %ne3A = arith.cmpi ne, %sign3A_6, %sign3A_13 : i32
    %rem3A = arith.remsi %add3A, %jit3A : i32
    %ne3A_14 = arith.constant 0 : i32
    %ne3A_15 = arith.cmpi ne, %rem3A, %ne3A_14 : i32
    %and3A = arith.andi %ne3A, %ne3A_15 : i1
    %sub3A = arith.constant 1 : i32
    %sub3A_16 = arith.subi %div3A, %sub3A : i32
    %select_n3A = arith.select %and3A, %sub3A_16, %div3A : i32
    %jit3A_17 = arith.constant 8 : i32
    %eq3A = arith.constant 0 : i32
    %eq3A_18 = arith.cmpi eq, %jit3A_17, %eq3A : i32
    %jit3A_19 = arith.constant 1 : i32
    %select_n3A_20 = arith.select %eq3A_18, %jit3A_19, %jit3A_17 : i32
    %rem3A_21 = arith.remsi %add3A, %select_n3A_20 : i32
    %ne3A_22 = arith.constant 0 : i32
    %ne3A_23 = arith.cmpi ne, %rem3A_21, %ne3A_22 : i32
    %lt3A = arith.constant 0 : i32
    %lt3A_24 = arith.cmpi slt, %rem3A_21, %lt3A : i32
    %lt3A_25 = arith.constant 0 : i32
    %lt3A_26 = arith.cmpi slt, %select_n3A_20, %lt3A_25 : i32
    %ne3A_27 = arith.xori %lt3A_24, %lt3A_26 : i1
    %and3A_28 = arith.andi %ne3A_27, %ne3A_23 : i1
    %add3A_29 = arith.addi %rem3A_21, %select_n3A_20 : i32
    %select_n3A_30 = arith.select %and3A_28, %add3A_29, %rem3A_21 : i32
    %mul3A_31 = arith.constant 256 : i32
    %mul3A_32 = arith.muli %select_n3A_30, %mul3A_31 : i32
    %mul3A_33 = arith.constant 256 : i32
    %mul3A_34 = arith.muli %add3A, %mul3A_33 : i32
    %add3A_35 = arith.constant 0 : i32
    %add3A_36 = arith.addi %mul3A_32, %add3A_35 : i32
    "tpu.region"() ({
      %run_scoped3A = tpu.sem_alloc : memref<!tpu.dma_semaphore, #tpu.memory_space<semaphore_mem>>
      %dma_start3A_53 = tpu.memref_slice %arg2[%select_n3A, %add3A_36] : memref<4x2048xi32, #tpu.memory_space<hbm>> -> memref<1x128xi32, #tpu.memory_space<hbm>>
      %dma_start3A_54 = tpu.memref_squeeze %dma_start3A_53 : memref<1x128xi32, #tpu.memory_space<hbm>> -> memref<128xi32, #tpu.memory_space<hbm>>
      %dma_start3A_55 = tpu.memref_slice %arg2[%select_n3A, %add3A_36] : memref<4x2048xi32, #tpu.memory_space<hbm>> -> memref<1x128xi32, #tpu.memory_space<hbm>>
      %dma_start3A_56 = tpu.memref_squeeze %dma_start3A_55 : memref<1x128xi32, #tpu.memory_space<hbm>> -> memref<128xi32, #tpu.memory_space<hbm>>
      tpu.enqueue_dma source(%dma_start3A_56 : memref<128xi32, #tpu.memory_space<hbm>>) target(%arg5 : memref<128xi32, #tpu.memory_space<vmem>>) target_semaphore(%run_scoped3A : memref<!tpu.dma_semaphore, #tpu.memory_space<semaphore_mem>>)
      %dma_wait3A_57 = tpu.memref_slice %arg2[%select_n3A, %add3A_36] : memref<4x2048xi32, #tpu.memory_space<hbm>> -> memref<1x128xi32, #tpu.memory_space<hbm>>
      %dma_wait3A_58 = tpu.memref_squeeze %dma_wait3A_57 : memref<1x128xi32, #tpu.memory_space<hbm>> -> memref<128xi32, #tpu.memory_space<hbm>>
      %dma_wait3A_59 = tpu.memref_slice %arg2[%select_n3A, %add3A_36] : memref<4x2048xi32, #tpu.memory_space<hbm>> -> memref<1x128xi32, #tpu.memory_space<hbm>>
      %dma_wait3A_60 = tpu.memref_squeeze %dma_wait3A_59 : memref<1x128xi32, #tpu.memory_space<hbm>> -> memref<128xi32, #tpu.memory_space<hbm>>
      tpu.wait_dma2 semaphore(%run_scoped3A : memref<!tpu.dma_semaphore, #tpu.memory_space<semaphore_mem>>) src(%dma_wait3A_60 : memref<128xi32, #tpu.memory_space<hbm>>) dst(%arg5 : memref<128xi32, #tpu.memory_space<vmem>>)
      tpu.yield
    }) : () -> ()
    %dma_start3A = arith.constant 0 : i32
    %dma_start3A_37 = arith.constant 0 : i32
    %dma_start3A_38 = tpu.memref_slice %arg3[%dma_start3A, %dma_start3A_37] : memref<32128x768xf32, #tpu.memory_space<hbm>> -> memref<32128x768xf32, #tpu.memory_space<hbm>>
    tpu.enqueue_indirect_dma source(%dma_start3A_38 : memref<32128x768xf32, #tpu.memory_space<hbm>>) target(%arg6 : memref<128x768xf32, #tpu.memory_space<vmem>>) offsets(%arg5 : memref<128xi32, #tpu.memory_space<vmem>>) semaphore(%arg7 : memref<!tpu.dma_semaphore, #tpu.memory_space<semaphore_mem>>)
    %dma_wait3A = arith.constant 0 : i32
    %dma_wait3A_39 = arith.constant 0 : i32
    %dma_wait3A_40 = tpu.memref_slice %arg3[%dma_wait3A, %dma_wait3A_39] : memref<32128x768xf32, #tpu.memory_space<hbm>> -> memref<32128x768xf32, #tpu.memory_space<hbm>>
    tpu.wait_indirect_dma semaphore(%arg7 : memref<!tpu.dma_semaphore, #tpu.memory_space<semaphore_mem>>) src(%dma_wait3A_40 : memref<32128x768xf32, #tpu.memory_space<hbm>>) dst(%arg6 : memref<128x768xf32, #tpu.memory_space<vmem>>)
    %add3A_41 = arith.constant 0 : i32
    %add3A_42 = arith.addi %mul3A_34, %add3A_41 : i32
    "tpu.region"() ({
      %run_scoped3A = tpu.sem_alloc : memref<!tpu.dma_semaphore, #tpu.memory_space<semaphore_mem>>
      %dma_start3A_53 = arith.constant 0 : i32
      %dma_start3A_54 = tpu.memref_slice %arg4[%add3A_42, %dma_start3A_53] : memref<8192x768xf32, #tpu.memory_space<hbm>> -> memref<128x768xf32, #tpu.memory_space<hbm>>
      %dma_start3A_55 = arith.constant 0 : i32
      %dma_start3A_56 = tpu.memref_slice %arg4[%add3A_42, %dma_start3A_55] : memref<8192x768xf32, #tpu.memory_space<hbm>> -> memref<128x768xf32, #tpu.memory_space<hbm>>
      tpu.enqueue_dma source(%arg6 : memref<128x768xf32, #tpu.memory_space<vmem>>) target(%dma_start3A_56 : memref<128x768xf32, #tpu.memory_space<hbm>>) target_semaphore(%run_scoped3A : memref<!tpu.dma_semaphore, #tpu.memory_space<semaphore_mem>>)
      %dma_wait3A_57 = arith.constant 0 : i32
      %dma_wait3A_58 = tpu.memref_slice %arg4[%add3A_42, %dma_wait3A_57] : memref<8192x768xf32, #tpu.memory_space<hbm>> -> memref<128x768xf32, #tpu.memory_space<hbm>>
      %dma_wait3A_59 = arith.constant 0 : i32
      %dma_wait3A_60 = tpu.memref_slice %arg4[%add3A_42, %dma_wait3A_59] : memref<8192x768xf32, #tpu.memory_space<hbm>> -> memref<128x768xf32, #tpu.memory_space<hbm>>
      tpu.wait_dma2 semaphore(%run_scoped3A : memref<!tpu.dma_semaphore, #tpu.memory_space<semaphore_mem>>) src(%arg6 : memref<128x768xf32, #tpu.memory_space<vmem>>) dst(%dma_wait3A_60 : memref<128x768xf32, #tpu.memory_space<hbm>>)
      tpu.yield
    }) : () -> ()
    %add3A_43 = arith.constant 128 : i32
    %add3A_44 = arith.addi %mul3A_32, %add3A_43 : i32
    "tpu.region"() ({
      %run_scoped3A = tpu.sem_alloc : memref<!tpu.dma_semaphore, #tpu.memory_space<semaphore_mem>>
      %dma_start3A_53 = tpu.memref_slice %arg2[%select_n3A, %add3A_44] : memref<4x2048xi32, #tpu.memory_space<hbm>> -> memref<1x128xi32, #tpu.memory_space<hbm>>
      %dma_start3A_54 = tpu.memref_squeeze %dma_start3A_53 : memref<1x128xi32, #tpu.memory_space<hbm>> -> memref<128xi32, #tpu.memory_space<hbm>>
      %dma_start3A_55 = tpu.memref_slice %arg2[%select_n3A, %add3A_44] : memref<4x2048xi32, #tpu.memory_space<hbm>> -> memref<1x128xi32, #tpu.memory_space<hbm>>
      %dma_start3A_56 = tpu.memref_squeeze %dma_start3A_55 : memref<1x128xi32, #tpu.memory_space<hbm>> -> memref<128xi32, #tpu.memory_space<hbm>>
      tpu.enqueue_dma source(%dma_start3A_56 : memref<128xi32, #tpu.memory_space<hbm>>) target(%arg5 : memref<128xi32, #tpu.memory_space<vmem>>) target_semaphore(%run_scoped3A : memref<!tpu.dma_semaphore, #tpu.memory_space<semaphore_mem>>)
      %dma_wait3A_57 = tpu.memref_slice %arg2[%select_n3A, %add3A_44] : memref<4x2048xi32, #tpu.memory_space<hbm>> -> memref<1x128xi32, #tpu.memory_space<hbm>>
      %dma_wait3A_58 = tpu.memref_squeeze %dma_wait3A_57 : memref<1x128xi32, #tpu.memory_space<hbm>> -> memref<128xi32, #tpu.memory_space<hbm>>
      %dma_wait3A_59 = tpu.memref_slice %arg2[%select_n3A, %add3A_44] : memref<4x2048xi32, #tpu.memory_space<hbm>> -> memref<1x128xi32, #tpu.memory_space<hbm>>
      %dma_wait3A_60 = tpu.memref_squeeze %dma_wait3A_59 : memref<1x128xi32, #tpu.memory_space<hbm>> -> memref<128xi32, #tpu.memory_space<hbm>>
      tpu.wait_dma2 semaphore(%run_scoped3A : memref<!tpu.dma_semaphore, #tpu.memory_space<semaphore_mem>>) src(%dma_wait3A_60 : memref<128xi32, #tpu.memory_space<hbm>>) dst(%arg5 : memref<128xi32, #tpu.memory_space<vmem>>)
      tpu.yield
    }) : () -> ()
    %dma_start3A_45 = arith.constant 0 : i32
    %dma_start3A_46 = arith.constant 0 : i32
    %dma_start3A_47 = tpu.memref_slice %arg3[%dma_start3A_45, %dma_start3A_46] : memref<32128x768xf32, #tpu.memory_space<hbm>> -> memref<32128x768xf32, #tpu.memory_space<hbm>>
    tpu.enqueue_indirect_dma source(%dma_start3A_47 : memref<32128x768xf32, #tpu.memory_space<hbm>>) target(%arg6 : memref<128x768xf32, #tpu.memory_space<vmem>>) offsets(%arg5 : memref<128xi32, #tpu.memory_space<vmem>>) semaphore(%arg7 : memref<!tpu.dma_semaphore, #tpu.memory_space<semaphore_mem>>)
    %dma_wait3A_48 = arith.constant 0 : i32
    %dma_wait3A_49 = arith.constant 0 : i32
    %dma_wait3A_50 = tpu.memref_slice %arg3[%dma_wait3A_48, %dma_wait3A_49] : memref<32128x768xf32, #tpu.memory_space<hbm>> -> memref<32128x768xf32, #tpu.memory_space<hbm>>
    tpu.wait_indirect_dma semaphore(%arg7 : memref<!tpu.dma_semaphore, #tpu.memory_space<semaphore_mem>>) src(%dma_wait3A_50 : memref<32128x768xf32, #tpu.memory_space<hbm>>) dst(%arg6 : memref<128x768xf32, #tpu.memory_space<vmem>>)
    %add3A_51 = arith.constant 128 : i32
    %add3A_52 = arith.addi %mul3A_34, %add3A_51 : i32
    "tpu.region"() ({
      %run_scoped3A = tpu.sem_alloc : memref<!tpu.dma_semaphore, #tpu.memory_space<semaphore_mem>>
      %dma_start3A_53 = arith.constant 0 : i32
      %dma_start3A_54 = tpu.memref_slice %arg4[%add3A_52, %dma_start3A_53] : memref<8192x768xf32, #tpu.memory_space<hbm>> -> memref<128x768xf32, #tpu.memory_space<hbm>>
      %dma_start3A_55 = arith.constant 0 : i32
      %dma_start3A_56 = tpu.memref_slice %arg4[%add3A_52, %dma_start3A_55] : memref<8192x768xf32, #tpu.memory_space<hbm>> -> memref<128x768xf32, #tpu.memory_space<hbm>>
      tpu.enqueue_dma source(%arg6 : memref<128x768xf32, #tpu.memory_space<vmem>>) target(%dma_start3A_56 : memref<128x768xf32, #tpu.memory_space<hbm>>) target_semaphore(%run_scoped3A : memref<!tpu.dma_semaphore, #tpu.memory_space<semaphore_mem>>)
      %dma_wait3A_57 = arith.constant 0 : i32
      %dma_wait3A_58 = tpu.memref_slice %arg4[%add3A_52, %dma_wait3A_57] : memref<8192x768xf32, #tpu.memory_space<hbm>> -> memref<128x768xf32, #tpu.memory_space<hbm>>
      %dma_wait3A_59 = arith.constant 0 : i32
      %dma_wait3A_60 = tpu.memref_slice %arg4[%add3A_52, %dma_wait3A_59] : memref<8192x768xf32, #tpu.memory_space<hbm>> -> memref<128x768xf32, #tpu.memory_space<hbm>>
      tpu.wait_dma2 semaphore(%run_scoped3A : memref<!tpu.dma_semaphore, #tpu.memory_space<semaphore_mem>>) src(%arg6 : memref<128x768xf32, #tpu.memory_space<vmem>>) dst(%dma_wait3A_60 : memref<128x768xf32, #tpu.memory_space<hbm>>)
      tpu.yield
    }) : () -> ()
    return
  }
}

</mosaic_0001>

<sc_bundles>
// kernel: kernel.3.cloned.1.call-start
scs
__scs_entry_jumppad:
0x0: {  	(pc) =	sbr.rel $0x88, $3  }
0x1: {  	(tag) =	ssettag $0x0;
	lr =	simm.s32 $0x1  }
0x2: {  	[smem:$0x3F9F] =	sst lr;
	_ =	strace $0xD0000000  }
0x3: {  	_ = 	snop  }
0x4: {  	_ = 	snop  }
0x5: {  	_ = 	snop  }
0x6: {  	_ = 	snop  }
0x7: {  	_ = 	snop  }
__scs_overlays_trampoline_lowered:
0x8: {  	[smem:$0x3FAE] =	sst s0  }
0x9: {  	[smem:$0x3FAF] =	sst s1  }
0xa: {  	[smem:$0x3FB0] =	sst s2  }
0xb: {  	[smem:$0x3FB1] =	sst s3  }
0xc: {  	[smem:$0x3FB2] =	sst s4  }
0xd: {  	[smem:$0x3FB3] =	sst s5  }
0xe: {  	[smem:$0x3FB4] =	sst s6  }
0xf: {  	[smem:$0x3FB5] =	sst s7  }
0x10: {  	[smem:$0x3FB6] =	sst s8  }
0x11: {  	[smem:$0x3FB7] =	sst s9;
	s0 =	simm.s32 @!p0 $0x0  }
0x12: {  	s1 =	sld [smem:$0x3F9D];
	s0 =	simm.s32 @p0 $0x1  }
0x13: {  	[smem:$0x3FB8] =	sst s0;
	s0 =	simm.s32 @!p1 $0x0  }
0x14: {  	s2 =	sld [smem:$0x3F9C];
	s0 =	simm.s32 @p1 $0x1  }
0x15: {  	[smem:$0x3FB9] =	sst s0;
	s0 =	simm.s32 @!p2 $0x0  }
0x16: {  	s3 =	sld [smem:$0x3FDB];
	s0 =	simm.s32 @p2 $0x1  }
0x17: {  	s4 =	simm.s32 $0x1BF5;
	[smem:$0x3FBB] =	sst s0  }
0x18: {  	s0 =	sld [smem:$0x3F9E];
	_ =	swait.ge [sflag:s4], $0x0  }
0x19: {  	s7 =	sld [smem:$0x3F9F]  }
0x1a: {  	s8 =	sadd.s32 $0xFFFFE003, lr  }
0x1b: {  	s9 =	sadd.s32 $0xFFFFFEF7, lr;
	s5 =	simm.s32 $0xFFFFFFFF;
	p2 =	slt.u32 s8, $0xFFFFF086  }
0x1c: {  	p1 =	slt.u32 s9, $0xF7A;
	s5 =	simm.s32 @!p2 $0x0  }
0x1d: {  	s5 =	simm.s32 @p1 $0x1;
	p0 =	seq.s32 s7, s2  }
0x1e: {  	s7 =	smul.u32 @!p0 $0xF7A, s2;
	p2 =	seq.s32 @!p0 s5, $0x0  }
0x1f: {  	s9 =	smul.u32 $0xF7A, s1;
	s8 =	simm.s32 @!p0 $0x1BF5;
	p2 =	por !p2, p0  }
0x20: {  	[sflag:s8] =	ssyncset.s32 @!p0 $0xFFFFF086;
	s6 =	sadd.s32 @!p0 s3, s7;
	s7 =	simm.s32 @!p0 $0x108  }
0x21: {  	s3 =	sadd.s32 s3, s9;
	s6 =	sadd.s32 @!p0 $0x88, s6;
	s7 =	simm.s32 @p2 $0x1082  }
0x22: {  	[simem:s7], [sflag:s8] =	dma.local @!p0 [hbm:s6], $0xF7A  }
0x23: {  	s9 =	sor.u32 $0xD0000000, s2;
	s6 =	simm.s32 $0x108;
	_ =	swait.ge @!p0 [sflag:s8], $0x0  }
0x24: {  	s3 =	sadd.s32 $0x88, s3;
	s6 =	simm.s32 @!p1 $0x1082;
	[sflag:s4] =	ssyncset.s32 $0xFFFFF086  }
0x25: {  	[simem:s6], [sflag:s4] =	dma.local [hbm:s3], $0xF7A  }
0x26: {  	[smem:$0x3F9F] =	sst s1;
	(tag) =	ssettag s2;
	_ =	strace s9  }
0x27: {  	s1 =	sld [smem:$0x3FAF]  }
0x28: {  	s2 =	sld [smem:$0x3FB0]  }
0x29: {  	s4 =	sld [smem:$0x3FB2]  }
0x2a: {  	p0 =	seq.s32 s5, $0x0;
	s5 =	sld [smem:$0x3FB3]  }
0x2b: {  	s6 =	sld [smem:$0x3FB4]  }
0x2c: {  	s7 =	sld [smem:$0x3FB5]  }
0x2d: {  	s3 =	simm.s32 $0x108;
	s8 =	sld [smem:$0x3FB6]  }
0x2e: {  	s3 =	simm.s32 @!p0 $0x1082;
	s9 =	sld [smem:$0x3FB7]  }
0x2f: {  	lr =	sadd.s32 s0, s3;
	s0 =	sld [smem:$0x3FAE]  }
0x30: {  	s3 =	sld [smem:$0x3FB1]  }
0x31: {  	[smem:$0x3FBA] =	sst s10  }
0x32: {  	s10 =	sld [smem:$0x3FB8];
	_ =	sdelay $0x3  }
0x33: {  	p0 =	seq.s32 s10, $0x1;
	s10 =	sld [smem:$0x3FBA];
	_ =	sdelay $0x3  }
0x34: {  	[smem:$0x3FBA] =	sst s10  }
0x35: {  	s10 =	sld [smem:$0x3FB9];
	_ =	sdelay $0x3  }
0x36: {  	p1 =	seq.s32 s10, $0x1;
	s10 =	sld [smem:$0x3FBA];
	_ =	sdelay $0x3  }
0x37: {  	[smem:$0x3FBA] =	sst s10  }
0x38: {  	s10 =	sld [smem:$0x3FBB]  }
0x39: {  	_ = 	snop;
	(pc) =	sbr.ind lr, $3  }
0x3a: {  	_ = 	snop  }
0x3b: {  	_ = 	snop  }
0x3c: {  	p2 =	seq.s32 s10, $0x1;
	s10 =	sld [smem:$0x3FBA]  }
0x3d: {  	_ =	shalt  }
0x3e: {  	_ =	shalt  }
0x3f: {  	_ =	shalt  }
0x40: {  	_ =	shalt  }
0x41: {  	_ =	shalt  }
0x42: {  	_ =	shalt  }
0x43: {  	_ =	shalt  }
0x44: {  	_ =	shalt  }
0x45: {  	_ =	shalt  }
0x46: {  	_ =	shalt  }
0x47: {  	_ =	shalt  }
0x48: {  	_ =	shalt  }
0x49: {  	_ =	shalt  }
0x4a: {  	_ =	shalt  }
0x4b: {  	_ =	shalt  }
0x4c: {  	_ =	shalt  }
0x4d: {  	_ =	shalt  }
0x4e: {  	_ =	shalt  }
0x4f: {  	_ =	shalt  }
0x50: {  	_ =	shalt  }
0x51: {  	_ =	shalt  }
0x52: {  	_ =	shalt  }
0x53: {  	_ =	shalt  }
0x54: {  	_ =	shalt  }
0x55: {  	_ =	shalt  }
0x56: {  	_ =	shalt  }
0x57: {  	_ =	shalt  }
0x58: {  	_ =	shalt  }
0x59: {  	_ =	shalt  }
0x5a: {  	_ =	shalt  }
0x5b: {  	_ =	shalt  }
0x5c: {  	_ =	shalt  }
0x5d: {  	_ =	shalt  }
0x5e: {  	_ =	shalt  }
0x5f: {  	_ =	shalt  }
0x60: {  	_ =	shalt  }
0x61: {  	_ =	shalt  }
0x62: {  	_ =	shalt  }
0x63: {  	_ =	shalt  }
0x64: {  	_ =	shalt  }
0x65: {  	_ =	shalt  }
0x66: {  	_ =	shalt  }
0x67: {  	_ =	shalt  }
0x68: {  	_ =	shalt  }
0x69: {  	_ =	shalt  }
0x6a: {  	_ =	shalt  }
0x6b: {  	_ =	shalt  }
0x6c: {  	_ =	shalt  }
0x6d: {  	_ =	shalt  }
0x6e: {  	_ =	shalt  }
0x6f: {  	_ =	shalt  }
0x70: {  	_ =	shalt  }
0x71: {  	_ =	shalt  }
0x72: {  	_ =	shalt  }
0x73: {  	_ =	shalt  }
0x74: {  	_ =	shalt  }
0x75: {  	_ =	shalt  }
0x76: {  	_ =	shalt  }
0x77: {  	_ =	shalt  }
0x78: {  	_ =	shalt  }
0x79: {  	_ =	shalt  }
0x7a: {  	_ =	shalt  }
0x7b: {  	_ =	shalt  }
0x7c: {  	_ =	shalt  }
0x7d: {  	_ =	shalt  }
0x7e: {  	_ =	shalt  }
0x7f: {  	_ =	shalt  }
0x80: {  	_ =	shalt  }
0x81: {  	_ =	shalt  }
0x82: {  	_ =	shalt  }
0x83: {  	_ =	shalt  }
0x84: {  	_ =	shalt  }
0x85: {  	_ =	shalt  }
0x86: {  	_ =	shalt  }
0x87: {  	_ =	shalt  }
.Lfunc_end0:
.L_simem_size_0:
called_computation_lowered:
.L_overlay_start_0:
0x88: {  	s2 =	sld [smem:$0x3FD9]  }
0x89: {  	s3 =	sld [smem:$0x3FFE];
	_ =	sdelay $0x1  }
0x8a: {  	s1 =	srdreg.scid  }
0x8b: {  	s0 =	sand.u32 $0x1, s1  }
0x8c: {  	s18 =	sshll.u32 s0, $0xA;
	s2 =	sadd.s32 s3, s2  }
0x8d: {  	s2 =	sadd.s32 s2, s18  }
0x8e: {  	[smem:$0x3FC6] =	sst s2  }
0x8f: {  	_ = 	snop  }
0x90: {  	s2 =	sld [smem:$0x3FC9]  }
0x91: {  	s19 =	sld [smem:$0x3FC8]  }
0x92: {  	s4 =	sld [smem:$0x3FD0];
	(tm) =	ssettm $0x1  }
0x93: {  	s5 =	sld [smem:$0x3FFB];
	_ =	sdelay $0x3  }
0x94: {  	_ =	strace s5  }
0x95: {  	s5 =	sld [smem:$0x3FFC];
	_ =	sdelay $0x3  }
0x96: {  	_ =	strace s5  }
0x97: {  	s5 =	sld [smem:$0x3FFD];
	_ =	sdelay $0x3  }
0x98: {  	_ =	strace s5  }
0x99: {  	_ =	strace $0x8FFFFFFF  }
0x9a: {  	s20 =	sld [smem:$0x3FDB];
	_ =	sdelay $0x1  }
0x9b: {  	s6 =	simm.s32 $_scs_section_size  }
0x9c: {  	s7 =	simm.s32 $_size__tile_overlayer_lowered;
	s8 =	simm.s32 $_tile_overlayer_lowered  }
0x9d: {  	s23 =	simm.s32 $0x1BFF;
	s22 =	sshll.u32 s8, $0x1;
	s5 =	sadd.s32 s6, s20  }
0x9e: {  	s9 =	simm.s32 $0x0;
	s21 =	sshll.u32 s7, $0x1;
	s7 =	sadd.s32 s22, s5  }
0x9f: {  	[timem:s9], [sflag:s23] =	dma.local [hbm:s7], s21  }
0xa0: {  	_ =	swait.ge [sflag:s23], s21  }
0xa1: {  	s6 =	ssub.s32 $0x0, s21;
	[sflag:s23] =	ssyncset.done $0x0  }
0xa2: {  	[sflag:s23] =	ssyncadd.s32 s6;
	_ =	sdelay $0x1  }
0xa3: {  	s24 =	simm.s32 $0x1B8B  }
0xa4: {  	_ =	swait.ge [sflag:s24], $0x1  }
0xa5: {  	[sflag:s24] =	ssyncset.done $0x0  }
0xa6: {  	s25 =	simm.s32 $0x1B8E;
	[sflag:s24] =	ssyncadd.s32 $0xFFFFFFFF  }
0xa7: {  	s26 =	simm.s32 $execute0_lowered;
	[smem:$0x3FD2] =	sst s25  }
0xa8: {  	s6 =	sshll.u32 s26, $0x1;
	_ =	strace $0x80000046;
	[dreg:$0x1] =	wrdreg $0xFFFFFFFF  }
0xa9: {  	s28 =	simm.s32 $_size_execute0_lowered;
	s5 =	sadd.s32 s5, s6;
	[dreg:$0x0] =	wrdreg $0x0  }
0xaa: {  	s6 =	sshll.u32 s28, $0x1;
	[dreg:$0x2] =	wrdreg s5  }
0xab: {  	[dreg:$0x3] =	wrdreg s6  }
0xac: {  	[dreg:$0x4] =	wrdreg $0xC0  }
0xad: {  	_ =	task [dreg:s9], $0x5FFFF  }
0xae: {  	[dreg:$0x1] =	wrdreg $0xFFFFFFFF  }
0xaf: {  	[dreg:$0x0] =	wrdreg $0x60  }
0xb0: {  	[dreg:$0x2] =	wrdreg s2  }
0xb1: {  	[dreg:$0x3] =	wrdreg s19  }
0xb2: {  	[dreg:$0x4] =	wrdreg s4  }
0xb3: {  	[dreg:$0x5] =	wrdreg $0x9  }
0xb4: {  	_ =	task.clear_ibuf [dreg:s9], $0x6FFFF;
	_ =	strace $0x90000046  }
0xb5: {  	s29 =	simm.s32 $0x9;
	_ =	strace $0x80000048  }
0xb6: {  	_ =	swait.ge [sflag:s29], $0x1  }
0xb7: {  	[sflag:s29] =	ssyncadd.s32 $0xFFFFFFFF  }
0xb8: {  	_ =	strace $0x90000048  }
0xb9: {  	_ =	sfence  }
0xba: {  	s30 =	sld [smem:$0x0];
	_ =	sdelay $0x2  }
0xbb: {  	s31 =	sshll.u32 s1, $0xD;
	s1 =	sshrl.u32 s1, $0x2  }
0xbc: {  	s3 =	sand.u32 $0x4000, s31;
	s1 =	sadd.s32 s1, s30  }
0xbd: {  	s0 =	sor.u32 s3, s0;
	s1 =	sshll.u32 s1, $0x11  }
0xbe: {  	s0 =	sor.u32 s1, s0  }
0xbf: {  	s0 =	sadd.s32 $0x8F2B, s0  }
0xc0: {  	[sflag:s0] =	ssyncadd.remote.s32 $0x1  }
0xc1: {  	_ =	sfence.sel $0xFFFF  }
0xc2: {  	[dreg:$0x0] =	wrdreg $0xFFFFFFFF;
	(pc) =	sbr.abs _section_cstart, $3  }
0xc3: {  	[dreg:$0x1] =	wrdreg $0xFFFFFFFF  }
0xc4: {  	_ =	task.clear_ibuf [dreg:s9], $0x2FFFF;
	_ =	strace $0x9FFFFFFF  }
0xc5: {  	(tm) =	ssettm $0x7FFFFFFF  }
tec
execute0_lowered:
.L_overlay_start_1:
0x0: {  	(tag) =	ssettag $0x1  }
0x1: {  	s0 =	rddreg [dreg:$0x0]  }
0x2: {  	s2 =	rddreg [dreg:$0x1]  }
0x3: {  	s1 =	rddreg [dreg:$0x2]  }
0x4: {  	s4 =	srdreg.scid;
	s7 =	stileid.u32;
	s3 =	simm.s32 $0x0  }
0x5: {  	s10 =	simm.s32 $0x1;
	s12 =	simm.s32 $0x1080;
	s13 =	simm.s32 $0x1880  }
0x6: {  	s14 =	simm.s32 $0x2080;
	s15 =	simm.s32 $0x2880;
	s16 =	simm.s32 $0x3080  }
0x7: {  	s17 =	simm.s32 $0x3880;
	s18 =	simm.s32 $0x4080;
	s19 =	simm.s32 $0x4880  }
0x8: {  	s20 =	simm.s32 $0x5080;
	s21 =	simm.s32 $0x5880;
	s22 =	simm.s32 $0x6080  }
0x9: {  	s28 =	simm.s32 $0x8880;
	s29 =	simm.s32 $0x9080;
	s30 =	simm.s32 $0x9880  }
0xa: {  	s31 =	simm.s32 $0xA080;
	s9 =	simm.s32 $0xB880;
	s4 =	sand.u32 $0x1, s4  }
0xb: {  	s5 =	sshll.u32 s7, $0x1;
	[smem:$0x7FF] =	sst s3;
	s7 =	sshll.u32 s7, $0x2  }
0xc: {  	s5 =	sor.u32 s4, s5;
	s4 =	ssub.s32 $0x2, s4;
	_ =	strace $0x80000047  }
0xd: {  	s6 =	sshll.u32 s5, $0x7;
	s8 =	smul.u32 $0x6000, s5;
	s23 =	sshrl.u32 s4, $0x1  }
0xe: {  	s5 =	smul.u32 $0x30000, s5;
	s6 =	sor.u32 s7, s6;
	s4 =	ssub.s32 s4, s23  }
0xf: {  	s23 =	simm.s32 $0x6880;
	s6 =	sand.u32 $0x3B0, s6;
	s24 =	sadd.s32 s1, s8  }
0x10: {  	s5 =	sshrl.u32 s5, $0x3;
	s7 =	smax.u32 s4, $0x1;
	s8 =	simm.s32 $0x2  }
0x11: {  	s4 =	simm.s32 $0x880;
	s6 =	sadd.s32 s0, s6;
	[dreg:$0x4] =	wrdreg s24  }
0x12: {  	s1 =	sadd.s32 s1, s5;
	s5 =	sadd.s32 $0x100, s2;
	s24 =	simm.s32 $0x7080  }
0x13: {  	v2 =	vlaneseq.u32;
	[dreg:$0x7] =	wrdreg s6;
	s25 =	sadd.s32 $0x40, s6;
	s26 =	sadd.s32 $0x3000, s1  }
0x14: {  	vm0 =	vmmov $0xffff;
	v1 =	vshrl.u32 v2, $0x3;
	s6 =	sadd.s32 $0x200, s2;
	s1 =	simm.s32 $0xB080;
	[dreg:$0x5] =	wrdreg s25  }
0x15: {  	v0 =	vand.u32 $0x7, v2;
	v2 =	vor.u32 $0x8, v2;
	v1 =	vmul.u32 $0x8, v1;
	[dreg:$0x6] =	wrdreg s26;
	s25 =	simm.s32 $0x7880;
	s26 =	simm.s32 $0x8080  }
.LBB2_1:
0x16: {  	s11 =	rddreg [dreg:$0x7]  }
0x17: {  	[tilespmem:s3], [sflag:$0x2] =	stream.linear.gather [hbm4b:s11+s3], $0x80, $0x38;
	[tilespmem:$0x18080] =	vst v63  }
0x18: {  	_ =	swait.ge [sflag:s8], $0x80  }
0x19: {  	[sflag:s8] =	ssyncset.done $0x0  }
0x1a: {  	[sflag:s8] =	ssyncadd.s32 $0xFFFFFF80  }
0x1b: {  	v3 =	vld [tilespmem:$0x0];
	_ =	sdelay $0x4  }
0x1c: {  	v4 =	vshrl.u32 v3, $0x3  }
0x1d: {  	v4 =	vmul.u32 $0x30, v4  }
0x1e: {  	v3 =	vand.u32 $0x7, v3  }
0x1f: {  	v3 =	vor.u32 v3, v4  }
0x20: {  	v4 =	vperm.xlane v3, v0;
	_ =	sdelay $0x1  }
0x21: {  	v4 =	vadd.s32 v1, v4;
	_ =	sdelay $0x3  }
0x22: {  	s0 =	simm.s32 $0x80;
	v3 =	vperm.xlane v3, v2  }
0x23: {  	[tilespmem:s0], [sflag:$0x1] =	stream.indirect_vreg.gather [hbm4b:s2+s3], $0x80, v4, vm0, $0xb8;
	[tilespmem:$0x18080] =	vst v63  }
0x24: {  	v3 =	vadd.s32 v1, v3  }
0x25: {  	[tilespmem:s4], [sflag:$0x1] =	stream.indirect_vreg.gather [hbm4b:s5+s3], $0x80, v4, vm0, $0xb8;
	[tilespmem:$0x18080] =	vst v63  }
0x26: {  	_ = 	snop  }
0x27: {  	[tilespmem:s12], [sflag:$0x1] =	stream.indirect_vreg.gather [hbm4b:s6+s3], $0x80, v4, vm0, $0xb8;
	[tilespmem:$0x18080] =	vst v63  }
0x28: {  	_ = 	snop  }
0x29: {  	[tilespmem:s13], [sflag:$0x1] =	stream.indirect_vreg.gather [hbm4b:s2+s3], $0x80, v3, vm0, $0xb8;
	[tilespmem:$0x18080] =	vst v63  }
0x2a: {  	_ = 	snop  }
0x2b: {  	[tilespmem:s14], [sflag:$0x1] =	stream.indirect_vreg.gather [hbm4b:s5+s3], $0x80, v3, vm0, $0xb8;
	[tilespmem:$0x18080] =	vst v63  }
0x2c: {  	_ = 	snop  }
0x2d: {  	[tilespmem:s15], [sflag:$0x1] =	stream.indirect_vreg.gather [hbm4b:s6+s3], $0x80, v3, vm0, $0xb8;
	[tilespmem:$0x18080] =	vst v63  }
0x2e: {  	v3 =	vld [tilespmem:$0x10];
	_ =	sdelay $0x4  }
0x2f: {  	v49 =	vshrl.u32 v3, $0x3  }
0x30: {  	v4 =	vmul.u32 $0x30, v49  }
0x31: {  	v3 =	vand.u32 $0x7, v3  }
0x32: {  	v3 =	vor.u32 v3, v4  }
0x33: {  	v4 =	vperm.xlane v3, v0;
	_ =	sdelay $0x1  }
0x34: {  	v4 =	vadd.s32 v1, v4;
	_ =	sdelay $0x3  }
0x35: {  	v3 =	vperm.xlane v3, v2  }
0x36: {  	[tilespmem:s16], [sflag:$0x1] =	stream.indirect_vreg.gather [hbm4b:s2+s3], $0x80, v4, vm0, $0xb8;
	[tilespmem:$0x18080] =	vst v63  }
0x37: {  	v3 =	vadd.s32 v1, v3  }
0x38: {  	[tilespmem:s17], [sflag:$0x1] =	stream.indirect_vreg.gather [hbm4b:s5+s3], $0x80, v4, vm0, $0xb8;
	[tilespmem:$0x18080] =	vst v63  }
0x39: {  	_ = 	snop  }
0x3a: {  	[tilespmem:s18], [sflag:$0x1] =	stream.indirect_vreg.gather [hbm4b:s6+s3], $0x80, v4, vm0, $0xb8;
	[tilespmem:$0x18080] =	vst v63  }
0x3b: {  	_ = 	snop  }
0x3c: {  	[tilespmem:s19], [sflag:$0x1] =	stream.indirect_vreg.gather [hbm4b:s2+s3], $0x80, v3, vm0, $0xb8;
	[tilespmem:$0x18080] =	vst v63  }
0x3d: {  	_ = 	snop  }
0x3e: {  	[tilespmem:s20], [sflag:$0x1] =	stream.indirect_vreg.gather [hbm4b:s5+s3], $0x80, v3, vm0, $0xb8;
	[tilespmem:$0x18080] =	vst v63  }
0x3f: {  	_ = 	snop  }
0x40: {  	[tilespmem:s21], [sflag:$0x1] =	stream.indirect_vreg.gather [hbm4b:s6+s3], $0x80, v3, vm0, $0xb8;
	[tilespmem:$0x18080] =	vst v63  }
0x41: {  	v3 =	vld [tilespmem:$0x20];
	_ =	sdelay $0x4  }
0x42: {  	v50 =	vshrl.u32 v3, $0x3  }
0x43: {  	v4 =	vmul.u32 $0x30, v50  }
0x44: {  	v3 =	vand.u32 $0x7, v3  }
0x45: {  	v3 =	vor.u32 v3, v4  }
0x46: {  	v4 =	vperm.xlane v3, v0;
	_ =	sdelay $0x1  }
0x47: {  	v4 =	vadd.s32 v1, v4;
	_ =	sdelay $0x3  }
0x48: {  	v3 =	vperm.xlane v3, v2  }
0x49: {  	[tilespmem:s22], [sflag:$0x1] =	stream.indirect_vreg.gather [hbm4b:s2+s3], $0x80, v4, vm0, $0xb8;
	[tilespmem:$0x18080] =	vst v63  }
0x4a: {  	v3 =	vadd.s32 v1, v3  }
0x4b: {  	[tilespmem:s23], [sflag:$0x1] =	stream.indirect_vreg.gather [hbm4b:s5+s3], $0x80, v4, vm0, $0xb8;
	[tilespmem:$0x18080] =	vst v63  }
0x4c: {  	_ = 	snop  }
0x4d: {  	[tilespmem:s24], [sflag:$0x1] =	stream.indirect_vreg.gather [hbm4b:s6+s3], $0x80, v4, vm0, $0xb8;
	[tilespmem:$0x18080] =	vst v63  }
0x4e: {  	_ = 	snop  }
0x4f: {  	[tilespmem:s25], [sflag:$0x1] =	stream.indirect_vreg.gather [hbm4b:s2+s3], $0x80, v3, vm0, $0xb8;
	[tilespmem:$0x18080] =	vst v63  }
0x50: {  	_ = 	snop  }
0x51: {  	[tilespmem:s26], [sflag:$0x1] =	stream.indirect_vreg.gather [hbm4b:s5+s3], $0x80, v3, vm0, $0xb8;
	[tilespmem:$0x18080] =	vst v63  }
0x52: {  	_ = 	snop  }
0x53: {  	[tilespmem:s28], [sflag:$0x1] =	stream.indirect_vreg.gather [hbm4b:s6+s3], $0x80, v3, vm0, $0xb8;
	[tilespmem:$0x18080] =	vst v63  }
0x54: {  	v3 =	vld [tilespmem:$0x30];
	_ =	sdelay $0x4  }
0x55: {  	v51 =	vshrl.u32 v3, $0x3  }
0x56: {  	v4 =	vmul.u32 $0x30, v51  }
0x57: {  	v3 =	vand.u32 $0x7, v3  }
0x58: {  	v3 =	vor.u32 v3, v4  }
0x59: {  	v4 =	vperm.xlane v3, v0;
	_ =	sdelay $0x1  }
0x5a: {  	v4 =	vadd.s32 v1, v4;
	_ =	sdelay $0x3  }
0x5b: {  	v3 =	vperm.xlane v3, v2  }
0x5c: {  	[tilespmem:s29], [sflag:$0x1] =	stream.indirect_vreg.gather [hbm4b:s2+s3], $0x80, v4, vm0, $0xb8;
	[tilespmem:$0x18080] =	vst v63  }
0x5d: {  	v3 =	vadd.s32 v1, v3  }
0x5e: {  	[tilespmem:s30], [sflag:$0x1] =	stream.indirect_vreg.gather [hbm4b:s5+s3], $0x80, v4, vm0, $0xb8;
	[tilespmem:$0x18080] =	vst v63  }
0x5f: {  	_ = 	snop  }
0x60: {  	[tilespmem:s31], [sflag:$0x1] =	stream.indirect_vreg.gather [hbm4b:s6+s3], $0x80, v4, vm0, $0xb8;
	[tilespmem:$0x18080] =	vst v63  }
0x61: {  	s11 =	simm.s32 $0xA880  }
0x62: {  	[tilespmem:s11], [sflag:$0x1] =	stream.indirect_vreg.gather [hbm4b:s2+s3], $0x80, v3, vm0, $0xb8;
	[tilespmem:$0x18080] =	vst v63  }
0x63: {  	_ = 	snop  }
0x64: {  	[tilespmem:s1], [sflag:$0x1] =	stream.indirect_vreg.gather [hbm4b:s5+s3], $0x80, v3, vm0, $0xb8;
	[tilespmem:$0x18080] =	vst v63  }
0x65: {  	_ = 	snop  }
0x66: {  	[tilespmem:s9], [sflag:$0x1] =	stream.indirect_vreg.gather [hbm4b:s6+s3], $0x80, v3, vm0, $0xb8;
	[tilespmem:$0x18080] =	vst v63  }
0x67: {  	v3 =	vld [tilespmem:$0x40];
	_ =	sdelay $0x4  }
0x68: {  	v52 =	vshrl.u32 v3, $0x3  }
0x69: {  	v4 =	vmul.u32 $0x30, v52  }
0x6a: {  	v3 =	vand.u32 $0x7, v3  }
0x6b: {  	v3 =	vor.u32 v3, v4  }
0x6c: {  	v4 =	vperm.xlane v3, v0;
	_ =	sdelay $0x1  }
0x6d: {  	v4 =	vadd.s32 v1, v4;
	_ =	sdelay $0x3  }
0x6e: {  	s11 =	simm.s32 $0xC080;
	v3 =	vperm.xlane v3, v2  }
0x6f: {  	[tilespmem:s11], [sflag:$0x1] =	stream.indirect_vreg.gather [hbm4b:s2+s3], $0x80, v4, vm0, $0xb8;
	[tilespmem:$0x18080] =	vst v63  }
0x70: {  	v3 =	vadd.s32 v1, v3;
	s11 =	simm.s32 $0xC880  }
0x71: {  	[tilespmem:s11], [sflag:$0x1] =	stream.indirect_vreg.gather [hbm4b:s5+s3], $0x80, v4, vm0, $0xb8;
	[tilespmem:$0x18080] =	vst v63  }
0x72: {  	s11 =	simm.s32 $0xD080  }
0x73: {  	[tilespmem:s11], [sflag:$0x1] =	stream.indirect_vreg.gather [hbm4b:s6+s3], $0x80, v4, vm0, $0xb8;
	[tilespmem:$0x18080] =	vst v63  }
0x74: {  	s11 =	simm.s32 $0xD880  }
0x75: {  	[tilespmem:s11], [sflag:$0x1] =	stream.indirect_vreg.gather [hbm4b:s2+s3], $0x80, v3, vm0, $0xb8;
	[tilespmem:$0x18080] =	vst v63  }
0x76: {  	s11 =	simm.s32 $0xE080  }
0x77: {  	[tilespmem:s11], [sflag:$0x1] =	stream.indirect_vreg.gather [hbm4b:s5+s3], $0x80, v3, vm0, $0xb8;
	[tilespmem:$0x18080] =	vst v63  }
0x78: {  	s11 =	simm.s32 $0xE880  }
0x79: {  	[tilespmem:s11], [sflag:$0x1] =	stream.indirect_vreg.gather [hbm4b:s6+s3], $0x80, v3, vm0, $0xb8;
	[tilespmem:$0x18080] =	vst v63  }
0x7a: {  	v3 =	vld [tilespmem:$0x50];
	_ =	sdelay $0x4  }
0x7b: {  	v53 =	vshrl.u32 v3, $0x3  }
0x7c: {  	v4 =	vmul.u32 $0x30, v53  }
0x7d: {  	v3 =	vand.u32 $0x7, v3  }
0x7e: {  	v3 =	vor.u32 v3, v4  }
0x7f: {  	v4 =	vperm.xlane v3, v0;
	_ =	sdelay $0x1  }
0x80: {  	v4 =	vadd.s32 v1, v4;
	_ =	sdelay $0x3  }
0x81: {  	s11 =	simm.s32 $0xF080;
	v3 =	vperm.xlane v3, v2  }
0x82: {  	[tilespmem:s11], [sflag:$0x1] =	stream.indirect_vreg.gather [hbm4b:s2+s3], $0x80, v4, vm0, $0xb8;
	[tilespmem:$0x18080] =	vst v63  }
0x83: {  	v3 =	vadd.s32 v1, v3;
	s11 =	simm.s32 $0xF880  }
0x84: {  	[tilespmem:s11], [sflag:$0x1] =	stream.indirect_vreg.gather [hbm4b:s5+s3], $0x80, v4, vm0, $0xb8;
	[tilespmem:$0x18080] =	vst v63  }
0x85: {  	s11 =	simm.s32 $0x10080  }
0x86: {  	[tilespmem:s11], [sflag:$0x1] =	stream.indirect_vreg.gather [hbm4b:s6+s3], $0x80, v4, vm0, $0xb8;
	[tilespmem:$0x18080] =	vst v63  }
0x87: {  	s11 =	simm.s32 $0x10880  }
0x88: {  	[tilespmem:s11], [sflag:$0x1] =	stream.indirect_vreg.gather [hbm4b:s2+s3], $0x80, v3, vm0, $0xb8;
	[tilespmem:$0x18080] =	vst v63  }
0x89: {  	s11 =	simm.s32 $0x11080  }
0x8a: {  	[tilespmem:s11], [sflag:$0x1] =	stream.indirect_vreg.gather [hbm4b:s5+s3], $0x80, v3, vm0, $0xb8;
	[tilespmem:$0x18080] =	vst v63  }
0x8b: {  	s11 =	simm.s32 $0x11880  }
0x8c: {  	[tilespmem:s11], [sflag:$0x1] =	stream.indirect_vreg.gather [hbm4b:s6+s3], $0x80, v3, vm0, $0xb8;
	[tilespmem:$0x18080] =	vst v63  }
0x8d: {  	v3 =	vld [tilespmem:$0x60];
	_ =	sdelay $0x4  }
0x8e: {  	v54 =	vshrl.u32 v3, $0x3  }
0x8f: {  	v4 =	vmul.u32 $0x30, v54  }
0x90: {  	v3 =	vand.u32 $0x7, v3  }
0x91: {  	v3 =	vor.u32 v3, v4  }
0x92: {  	v4 =	vperm.xlane v3, v0;
	_ =	sdelay $0x1  }
0x93: {  	v4 =	vadd.s32 v1, v4;
	_ =	sdelay $0x3  }
0x94: {  	s11 =	simm.s32 $0x12080;
	v3 =	vperm.xlane v3, v2  }
0x95: {  	[tilespmem:s11], [sflag:$0x1] =	stream.indirect_vreg.gather [hbm4b:s2+s3], $0x80, v4, vm0, $0xb8;
	[tilespmem:$0x18080] =	vst v63  }
0x96: {  	v3 =	vadd.s32 v1, v3;
	s11 =	simm.s32 $0x12880  }
0x97: {  	[tilespmem:s11], [sflag:$0x1] =	stream.indirect_vreg.gather [hbm4b:s5+s3], $0x80, v4, vm0, $0xb8;
	[tilespmem:$0x18080] =	vst v63  }
0x98: {  	s11 =	simm.s32 $0x13080  }
0x99: {  	[tilespmem:s11], [sflag:$0x1] =	stream.indirect_vreg.gather [hbm4b:s6+s3], $0x80, v4, vm0, $0xb8;
	[tilespmem:$0x18080] =	vst v63  }
0x9a: {  	s11 =	simm.s32 $0x13880  }
0x9b: {  	[tilespmem:s11], [sflag:$0x1] =	stream.indirect_vreg.gather [hbm4b:s2+s3], $0x80, v3, vm0, $0xb8;
	[tilespmem:$0x18080] =	vst v63  }
0x9c: {  	s11 =	simm.s32 $0x14080  }
0x9d: {  	[tilespmem:s11], [sflag:$0x1] =	stream.indirect_vreg.gather [hbm4b:s5+s3], $0x80, v3, vm0, $0xb8;
	[tilespmem:$0x18080] =	vst v63  }
0x9e: {  	s11 =	simm.s32 $0x14880  }
0x9f: {  	[tilespmem:s11], [sflag:$0x1] =	stream.indirect_vreg.gather [hbm4b:s6+s3], $0x80, v3, vm0, $0xb8;
	[tilespmem:$0x18080] =	vst v63  }
0xa0: {  	v3 =	vld [tilespmem:$0x70];
	_ =	sdelay $0x4  }
0xa1: {  	v55 =	vshrl.u32 v3, $0x3  }
0xa2: {  	v4 =	vmul.u32 $0x30, v55  }
0xa3: {  	v3 =	vand.u32 $0x7, v3  }
0xa4: {  	v3 =	vor.u32 v3, v4  }
0xa5: {  	v4 =	vperm.xlane v3, v0;
	_ =	sdelay $0x1  }
0xa6: {  	v4 =	vadd.s32 v1, v4;
	_ =	sdelay $0x3  }
0xa7: {  	s11 =	simm.s32 $0x15080;
	v3 =	vperm.xlane v3, v2  }
0xa8: {  	[tilespmem:s11], [sflag:$0x1] =	stream.indirect_vreg.gather [hbm4b:s2+s3], $0x80, v4, vm0, $0xb8;
	[tilespmem:$0x18080] =	vst v63  }
0xa9: {  	v3 =	vadd.s32 v1, v3;
	s11 =	simm.s32 $0x15880  }
0xaa: {  	[tilespmem:s11], [sflag:$0x1] =	stream.indirect_vreg.gather [hbm4b:s5+s3], $0x80, v4, vm0, $0xb8;
	[tilespmem:$0x18080] =	vst v63  }
0xab: {  	s11 =	simm.s32 $0x16080  }
0xac: {  	[tilespmem:s11], [sflag:$0x1] =	stream.indirect_vreg.gather [hbm4b:s6+s3], $0x80, v4, vm0, $0xb8;
	[tilespmem:$0x18080] =	vst v63  }
0xad: {  	s11 =	simm.s32 $0x16880  }
0xae: {  	[tilespmem:s11], [sflag:$0x1] =	stream.indirect_vreg.gather [hbm4b:s2+s3], $0x80, v3, vm0, $0xb8;
	[tilespmem:$0x18080] =	vst v63  }
0xaf: {  	s11 =	simm.s32 $0x17080  }
0xb0: {  	[tilespmem:s11], [sflag:$0x1] =	stream.indirect_vreg.gather [hbm4b:s5+s3], $0x80, v3, vm0, $0xb8;
	[tilespmem:$0x18080] =	vst v63  }
0xb1: {  	s11 =	simm.s32 $0x17880  }
0xb2: {  	[tilespmem:s11], [sflag:$0x1] =	stream.indirect_vreg.gather [hbm4b:s6+s3], $0x80, v3, vm0, $0xb8;
	[tilespmem:$0x18080] =	vst v63  }
0xb3: {  	_ =	swait.ge [sflag:s10], $0x18000  }
0xb4: {  	[sflag:s10] =	ssyncset.done $0x0  }
0xb5: {  	s0 =	simm.s32 $0x80;
	s11 =	rddreg [dreg:$0x4];
	[sflag:s10] =	ssyncadd.s32 $0xFFFE8000  }
0xb6: {  	[hbm4b:s11+s3] =	stream.linear.scatter [tilespmem:s0], [sflag:$0x2], $0x18000, $0x38;
	[tilespmem:$0x18080] =	vst v63  }
0xb7: {  	_ =	swait.ge [sflag:s8], $0x18000  }
0xb8: {  	[sflag:s8] =	ssyncset.done $0x0  }
0xb9: {  	s11 =	rddreg [dreg:$0x5];
	[sflag:s8] =	ssyncadd.s32 $0xFFFE8000  }
0xba: {  	[tilespmem:s3], [sflag:$0x2] =	stream.linear.gather [hbm4b:s11+s3], $0x80, $0x38;
	[tilespmem:$0x18080] =	vst v63  }
0xbb: {  	_ =	swait.ge [sflag:s8], $0x80  }
0xbc: {  	[sflag:s8] =	ssyncset.done $0x0  }
0xbd: {  	[sflag:s8] =	ssyncadd.s32 $0xFFFFFF80  }
0xbe: {  	v3 =	vld [tilespmem:$0x0];
	_ =	sdelay $0x4  }
0xbf: {  	v56 =	vshrl.u32 v3, $0x3  }
0xc0: {  	v4 =	vmul.u32 $0x30, v56  }
0xc1: {  	v3 =	vand.u32 $0x7, v3  }
0xc2: {  	v3 =	vor.u32 v3, v4  }
0xc3: {  	v4 =	vperm.xlane v3, v0;
	_ =	sdelay $0x1  }
0xc4: {  	v4 =	vadd.s32 v1, v4;
	_ =	sdelay $0x3  }
0xc5: {  	v3 =	vperm.xlane v3, v2  }
0xc6: {  	[tilespmem:s0], [sflag:$0x1] =	stream.indirect_vreg.gather [hbm4b:s2+s3], $0x80, v4, vm0, $0xb8;
	[tilespmem:$0x18080] =	vst v63  }
0xc7: {  	v3 =	vadd.s32 v1, v3  }
0xc8: {  	[tilespmem:s4], [sflag:$0x1] =	stream.indirect_vreg.gather [hbm4b:s5+s3], $0x80, v4, vm0, $0xb8;
	[tilespmem:$0x18080] =	vst v63  }
0xc9: {  	_ = 	snop  }
0xca: {  	[tilespmem:s12], [sflag:$0x1] =	stream.indirect_vreg.gather [hbm4b:s6+s3], $0x80, v4, vm0, $0xb8;
	[tilespmem:$0x18080] =	vst v63  }
0xcb: {  	_ = 	snop  }
0xcc: {  	[tilespmem:s13], [sflag:$0x1] =	stream.indirect_vreg.gather [hbm4b:s2+s3], $0x80, v3, vm0, $0xb8;
	[tilespmem:$0x18080] =	vst v63  }
0xcd: {  	_ = 	snop  }
0xce: {  	[tilespmem:s14], [sflag:$0x1] =	stream.indirect_vreg.gather [hbm4b:s5+s3], $0x80, v3, vm0, $0xb8;
	[tilespmem:$0x18080] =	vst v63  }
0xcf: {  	_ = 	snop  }
0xd0: {  	[tilespmem:s15], [sflag:$0x1] =	stream.indirect_vreg.gather [hbm4b:s6+s3], $0x80, v3, vm0, $0xb8;
	[tilespmem:$0x18080] =	vst v63  }
0xd1: {  	v3 =	vld [tilespmem:$0x10];
	_ =	sdelay $0x4  }
0xd2: {  	v57 =	vshrl.u32 v3, $0x3  }
0xd3: {  	v4 =	vmul.u32 $0x30, v57  }
0xd4: {  	v3 =	vand.u32 $0x7, v3  }
0xd5: {  	v3 =	vor.u32 v3, v4  }
0xd6: {  	v4 =	vperm.xlane v3, v0;
	_ =	sdelay $0x1  }
0xd7: {  	v4 =	vadd.s32 v1, v4;
	_ =	sdelay $0x3  }
0xd8: {  	v3 =	vperm.xlane v3, v2  }
0xd9: {  	[tilespmem:s16], [sflag:$0x1] =	stream.indirect_vreg.gather [hbm4b:s2+s3], $0x80, v4, vm0, $0xb8;
	[tilespmem:$0x18080] =	vst v63  }
0xda: {  	v3 =	vadd.s32 v1, v3  }
0xdb: {  	[tilespmem:s17], [sflag:$0x1] =	stream.indirect_vreg.gather [hbm4b:s5+s3], $0x80, v4, vm0, $0xb8;
	[tilespmem:$0x18080] =	vst v63  }
0xdc: {  	_ = 	snop  }
0xdd: {  	[tilespmem:s18], [sflag:$0x1] =	stream.indirect_vreg.gather [hbm4b:s6+s3], $0x80, v4, vm0, $0xb8;
	[tilespmem:$0x18080] =	vst v63  }
0xde: {  	_ = 	snop  }
0xdf: {  	[tilespmem:s19], [sflag:$0x1] =	stream.indirect_vreg.gather [hbm4b:s2+s3], $0x80, v3, vm0, $0xb8;
	[tilespmem:$0x18080] =	vst v63  }
0xe0: {  	_ = 	snop  }
0xe1: {  	[tilespmem:s20], [sflag:$0x1] =	stream.indirect_vreg.gather [hbm4b:s5+s3], $0x80, v3, vm0, $0xb8;
	[tilespmem:$0x18080] =	vst v63  }
0xe2: {  	_ = 	snop  }
0xe3: {  	[tilespmem:s21], [sflag:$0x1] =	stream.indirect_vreg.gather [hbm4b:s6+s3], $0x80, v3, vm0, $0xb8;
	[tilespmem:$0x18080] =	vst v63  }
0xe4: {  	v3 =	vld [tilespmem:$0x20];
	_ =	sdelay $0x4  }
0xe5: {  	v58 =	vshrl.u32 v3, $0x3  }
0xe6: {  	v4 =	vmul.u32 $0x30, v58  }
0xe7: {  	v3 =	vand.u32 $0x7, v3  }
0xe8: {  	v3 =	vor.u32 v3, v4  }
0xe9: {  	v4 =	vperm.xlane v3, v0;
	_ =	sdelay $0x1  }
0xea: {  	v4 =	vadd.s32 v1, v4;
	_ =	sdelay $0x3  }
0xeb: {  	v3 =	vperm.xlane v3, v2  }
0xec: {  	[tilespmem:s22], [sflag:$0x1] =	stream.indirect_vreg.gather [hbm4b:s2+s3], $0x80, v4, vm0, $0xb8;
	[tilespmem:$0x18080] =	vst v63  }
0xed: {  	v3 =	vadd.s32 v1, v3  }
0xee: {  	[tilespmem:s23], [sflag:$0x1] =	stream.indirect_vreg.gather [hbm4b:s5+s3], $0x80, v4, vm0, $0xb8;
	[tilespmem:$0x18080] =	vst v63  }
0xef: {  	_ = 	snop  }
0xf0: {  	[tilespmem:s24], [sflag:$0x1] =	stream.indirect_vreg.gather [hbm4b:s6+s3], $0x80, v4, vm0, $0xb8;
	[tilespmem:$0x18080] =	vst v63  }
0xf1: {  	_ = 	snop  }
0xf2: {  	[tilespmem:s25], [sflag:$0x1] =	stream.indirect_vreg.gather [hbm4b:s2+s3], $0x80, v3, vm0, $0xb8;
	[tilespmem:$0x18080] =	vst v63  }
0xf3: {  	_ = 	snop  }
0xf4: {  	[tilespmem:s26], [sflag:$0x1] =	stream.indirect_vreg.gather [hbm4b:s5+s3], $0x80, v3, vm0, $0xb8;
	[tilespmem:$0x18080] =	vst v63  }
0xf5: {  	_ = 	snop  }
0xf6: {  	[tilespmem:s28], [sflag:$0x1] =	stream.indirect_vreg.gather [hbm4b:s6+s3], $0x80, v3, vm0, $0xb8;
	[tilespmem:$0x18080] =	vst v63  }
0xf7: {  	v3 =	vld [tilespmem:$0x30];
	_ =	sdelay $0x4  }
0xf8: {  	v59 =	vshrl.u32 v3, $0x3  }
0xf9: {  	v4 =	vmul.u32 $0x30, v59  }
0xfa: {  	v3 =	vand.u32 $0x7, v3  }
0xfb: {  	v3 =	vor.u32 v3, v4  }
0xfc: {  	v4 =	vperm.xlane v3, v0;
	_ =	sdelay $0x1  }
0xfd: {  	v4 =	vadd.s32 v1, v4;
	_ =	sdelay $0x3  }
0xfe: {  	v3 =	vperm.xlane v3, v2  }
0xff: {  	[tilespmem:s29], [sflag:$0x1] =	stream.indirect_vreg.gather [hbm4b:s2+s3], $0x80, v4, vm0, $0xb8;
	[tilespmem:$0x18080] =	vst v63  }
0x100: {  	v3 =	vadd.s32 v1, v3  }
0x101: {  	[tilespmem:s30], [sflag:$0x1] =	stream.indirect_vreg.gather [hbm4b:s5+s3], $0x80, v4, vm0, $0xb8;
	[tilespmem:$0x18080] =	vst v63  }
0x102: {  	_ = 	snop  }
0x103: {  	[tilespmem:s31], [sflag:$0x1] =	stream.indirect_vreg.gather [hbm4b:s6+s3], $0x80, v4, vm0, $0xb8;
	[tilespmem:$0x18080] =	vst v63  }
0x104: {  	s11 =	simm.s32 $0xA880  }
0x105: {  	[tilespmem:s11], [sflag:$0x1] =	stream.indirect_vreg.gather [hbm4b:s2+s3], $0x80, v3, vm0, $0xb8;
	[tilespmem:$0x18080] =	vst v63  }
0x106: {  	_ = 	snop  }
0x107: {  	[tilespmem:s1], [sflag:$0x1] =	stream.indirect_vreg.gather [hbm4b:s5+s3], $0x80, v3, vm0, $0xb8;
	[tilespmem:$0x18080] =	vst v63  }
0x108: {  	_ = 	snop  }
0x109: {  	[tilespmem:s9], [sflag:$0x1] =	stream.indirect_vreg.gather [hbm4b:s6+s3], $0x80, v3, vm0, $0xb8;
	[tilespmem:$0x18080] =	vst v63  }
0x10a: {  	v3 =	vld [tilespmem:$0x40];
	_ =	sdelay $0x4  }
0x10b: {  	v60 =	vshrl.u32 v3, $0x3  }
0x10c: {  	v4 =	vmul.u32 $0x30, v60  }
0x10d: {  	v3 =	vand.u32 $0x7, v3  }
0x10e: {  	v3 =	vor.u32 v3, v4  }
0x10f: {  	v4 =	vperm.xlane v3, v0;
	_ =	sdelay $0x1  }
0x110: {  	v4 =	vadd.s32 v1, v4;
	_ =	sdelay $0x3  }
0x111: {  	s11 =	simm.s32 $0xC080;
	v3 =	vperm.xlane v3, v2  }
0x112: {  	[tilespmem:s11], [sflag:$0x1] =	stream.indirect_vreg.gather [hbm4b:s2+s3], $0x80, v4, vm0, $0xb8;
	[tilespmem:$0x18080] =	vst v63  }
0x113: {  	v3 =	vadd.s32 v1, v3;
	s11 =	simm.s32 $0xC880  }
0x114: {  	[tilespmem:s11], [sflag:$0x1] =	stream.indirect_vreg.gather [hbm4b:s5+s3], $0x80, v4, vm0, $0xb8;
	[tilespmem:$0x18080] =	vst v63  }
0x115: {  	s11 =	simm.s32 $0xD080  }
0x116: {  	[tilespmem:s11], [sflag:$0x1] =	stream.indirect_vreg.gather [hbm4b:s6+s3], $0x80, v4, vm0, $0xb8;
	[tilespmem:$0x18080] =	vst v63  }
0x117: {  	s11 =	simm.s32 $0xD880  }
0x118: {  	[tilespmem:s11], [sflag:$0x1] =	stream.indirect_vreg.gather [hbm4b:s2+s3], $0x80, v3, vm0, $0xb8;
	[tilespmem:$0x18080] =	vst v63  }
0x119: {  	s11 =	simm.s32 $0xE080  }
0x11a: {  	[tilespmem:s11], [sflag:$0x1] =	stream.indirect_vreg.gather [hbm4b:s5+s3], $0x80, v3, vm0, $0xb8;
	[tilespmem:$0x18080] =	vst v63  }
0x11b: {  	s11 =	simm.s32 $0xE880  }
0x11c: {  	[tilespmem:s11], [sflag:$0x1] =	stream.indirect_vreg.gather [hbm4b:s6+s3], $0x80, v3, vm0, $0xb8;
	[tilespmem:$0x18080] =	vst v63  }
0x11d: {  	v3 =	vld [tilespmem:$0x50];
	_ =	sdelay $0x4  }
0x11e: {  	v61 =	vshrl.u32 v3, $0x3  }
0x11f: {  	v4 =	vmul.u32 $0x30, v61  }
0x120: {  	v3 =	vand.u32 $0x7, v3  }
0x121: {  	v3 =	vor.u32 v3, v4  }
0x122: {  	v4 =	vperm.xlane v3, v0;
	_ =	sdelay $0x1  }
0x123: {  	v4 =	vadd.s32 v1, v4;
	_ =	sdelay $0x3  }
0x124: {  	s11 =	simm.s32 $0xF080;
	v3 =	vperm.xlane v3, v2  }
0x125: {  	[tilespmem:s11], [sflag:$0x1] =	stream.indirect_vreg.gather [hbm4b:s2+s3], $0x80, v4, vm0, $0xb8;
	[tilespmem:$0x18080] =	vst v63  }
0x126: {  	v3 =	vadd.s32 v1, v3;
	s11 =	simm.s32 $0xF880  }
0x127: {  	[tilespmem:s11], [sflag:$0x1] =	stream.indirect_vreg.gather [hbm4b:s5+s3], $0x80, v4, vm0, $0xb8;
	[tilespmem:$0x18080] =	vst v63  }
0x128: {  	s11 =	simm.s32 $0x10080  }
0x129: {  	[tilespmem:s11], [sflag:$0x1] =	stream.indirect_vreg.gather [hbm4b:s6+s3], $0x80, v4, vm0, $0xb8;
	[tilespmem:$0x18080] =	vst v63  }
0x12a: {  	s11 =	simm.s32 $0x10880  }
0x12b: {  	[tilespmem:s11], [sflag:$0x1] =	stream.indirect_vreg.gather [hbm4b:s2+s3], $0x80, v3, vm0, $0xb8;
	[tilespmem:$0x18080] =	vst v63  }
0x12c: {  	s11 =	simm.s32 $0x11080  }
0x12d: {  	[tilespmem:s11], [sflag:$0x1] =	stream.indirect_vreg.gather [hbm4b:s5+s3], $0x80, v3, vm0, $0xb8;
	[tilespmem:$0x18080] =	vst v63  }
0x12e: {  	s11 =	simm.s32 $0x11880  }
0x12f: {  	[tilespmem:s11], [sflag:$0x1] =	stream.indirect_vreg.gather [hbm4b:s6+s3], $0x80, v3, vm0, $0xb8;
	[tilespmem:$0x18080] =	vst v63  }
0x130: {  	v3 =	vld [tilespmem:$0x60];
	_ =	sdelay $0x4  }
0x131: {  	v62 =	vshrl.u32 v3, $0x3  }
0x132: {  	v4 =	vmul.u32 $0x30, v62  }
0x133: {  	v3 =	vand.u32 $0x7, v3  }
0x134: {  	v3 =	vor.u32 v3, v4  }
0x135: {  	v4 =	vperm.xlane v3, v0;
	_ =	sdelay $0x1  }
0x136: {  	v4 =	vadd.s32 v1, v4;
	_ =	sdelay $0x3  }
0x137: {  	s11 =	simm.s32 $0x12080;
	v3 =	vperm.xlane v3, v2  }
0x138: {  	[tilespmem:s11], [sflag:$0x1] =	stream.indirect_vreg.gather [hbm4b:s2+s3], $0x80, v4, vm0, $0xb8;
	[tilespmem:$0x18080] =	vst v63  }
0x139: {  	v3 =	vadd.s32 v1, v3;
	s11 =	simm.s32 $0x12880  }
0x13a: {  	[tilespmem:s11], [sflag:$0x1] =	stream.indirect_vreg.gather [hbm4b:s5+s3], $0x80, v4, vm0, $0xb8;
	[tilespmem:$0x18080] =	vst v63  }
0x13b: {  	s11 =	simm.s32 $0x13080  }
0x13c: {  	[tilespmem:s11], [sflag:$0x1] =	stream.indirect_vreg.gather [hbm4b:s6+s3], $0x80, v4, vm0, $0xb8;
	[tilespmem:$0x18080] =	vst v63  }
0x13d: {  	s11 =	simm.s32 $0x13880  }
0x13e: {  	[tilespmem:s11], [sflag:$0x1] =	stream.indirect_vreg.gather [hbm4b:s2+s3], $0x80, v3, vm0, $0xb8;
	[tilespmem:$0x18080] =	vst v63  }
0x13f: {  	s11 =	simm.s32 $0x14080  }
0x140: {  	[tilespmem:s11], [sflag:$0x1] =	stream.indirect_vreg.gather [hbm4b:s5+s3], $0x80, v3, vm0, $0xb8;
	[tilespmem:$0x18080] =	vst v63  }
0x141: {  	s11 =	simm.s32 $0x14880  }
0x142: {  	[tilespmem:s11], [sflag:$0x1] =	stream.indirect_vreg.gather [hbm4b:s6+s3], $0x80, v3, vm0, $0xb8;
	[tilespmem:$0x18080] =	vst v63  }
0x143: {  	v3 =	vld [tilespmem:$0x70];
	_ =	sdelay $0x4  }
0x144: {  	v63 =	vshrl.u32 v3, $0x3  }
0x145: {  	v4 =	vmul.u32 $0x30, v63  }
0x146: {  	v3 =	vand.u32 $0x7, v3  }
0x147: {  	v3 =	vor.u32 v3, v4  }
0x148: {  	v4 =	vperm.xlane v3, v0;
	_ =	sdelay $0x1  }
0x149: {  	v4 =	vadd.s32 v1, v4;
	_ =	sdelay $0x3  }
0x14a: {  	s11 =	simm.s32 $0x15080;
	v3 =	vperm.xlane v3, v2  }
0x14b: {  	[tilespmem:s11], [sflag:$0x1] =	stream.indirect_vreg.gather [hbm4b:s2+s3], $0x80, v4, vm0, $0xb8;
	[tilespmem:$0x18080] =	vst v63  }
0x14c: {  	v3 =	vadd.s32 v1, v3;
	s11 =	simm.s32 $0x15880  }
0x14d: {  	[tilespmem:s11], [sflag:$0x1] =	stream.indirect_vreg.gather [hbm4b:s5+s3], $0x80, v4, vm0, $0xb8;
	[tilespmem:$0x18080] =	vst v63  }
0x14e: {  	s11 =	simm.s32 $0x16080  }
0x14f: {  	[tilespmem:s11], [sflag:$0x1] =	stream.indirect_vreg.gather [hbm4b:s6+s3], $0x80, v4, vm0, $0xb8;
	[tilespmem:$0x18080] =	vst v63  }
0x150: {  	s11 =	simm.s32 $0x16880  }
0x151: {  	[tilespmem:s11], [sflag:$0x1] =	stream.indirect_vreg.gather [hbm4b:s2+s3], $0x80, v3, vm0, $0xb8;
	[tilespmem:$0x18080] =	vst v63  }
0x152: {  	s11 =	simm.s32 $0x17080  }
0x153: {  	[tilespmem:s11], [sflag:$0x1] =	stream.indirect_vreg.gather [hbm4b:s5+s3], $0x80, v3, vm0, $0xb8;
	[tilespmem:$0x18080] =	vst v63  }
0x154: {  	s11 =	simm.s32 $0x17880  }
0x155: {  	[tilespmem:s11], [sflag:$0x1] =	stream.indirect_vreg.gather [hbm4b:s6+s3], $0x80, v3, vm0, $0xb8;
	[tilespmem:$0x18080] =	vst v63  }
0x156: {  	_ =	swait.ge [sflag:s10], $0x18000  }
0x157: {  	p0 =	sne.s32 s7, $0x1;
	s0 =	simm.s32 $0x80;
	[sflag:s10] =	ssyncset.done $0x0  }
.Ltmp0:
0x158: {  	s11 =	rddreg [dreg:$0x6];
	[sflag:s10] =	ssyncadd.s32 $0xFFFE8000;
	(pc) =	sbr.rel @p0 .LBB2_1-.Ltmp0, $4  }
0x159: {  	[hbm4b:s11+s3] =	stream.linear.scatter [tilespmem:s0], [sflag:$0x2], $0x18000, $0x38;
	[tilespmem:$0x18080] =	vst v63  }
0x15a: {  	_ =	swait.ge [sflag:s8], $0x18000  }
0x15b: {  	[sflag:s8] =	ssyncset.done $0x0  }
0x15c: {  	s7 =	sadd.s32 $0xFFFFFFFF, s7;
	[sflag:s8] =	ssyncadd.s32 $0xFFFE8000  }
0x15d: {  	_ =	sfence.sel $0x180000  }
0x15e: {  	[bflag:$0x0] =	sbarrier.arrive $0xFFFF  }
0x15f: {  	_ =	strace $0x90000047  }
0x160: {  	s0 =	stileid.u32;
	[bflag:$0x2] =	sbarrier.arrive $0xFFFF  }
0x161: {  	p0 =	sne.s32 s0, $0x0;
	s0 =	rddreg [dreg:$0x3]  }
0x162: {  	s0 =	sadd.s32 @!p0 $0x100000, s0  }
0x163: {  	[sflag:s0] =	ssyncadd.tile.s32 @!p0 $0x1;
	_ =	shalt  }
.Lfunc_end2:
_tile_overlayer_lowered:
.L_overlay_start_2:
0x164: {  	(tag) =	ssettag $0x2  }
0x165: {  	s0 =	rddreg [dreg:$0x0];
	s2 =	stileid.u32  }
0x166: {  	s1 =	rddreg [dreg:$0x1];
	p0 =	sne.s32 s2, $0x0  }
0x167: {  	s3 =	rddreg [dreg:$0x2];
	[bflag:$0x3] =	sbarrier.arrive $0xFFFF;
	s2 =	simm.s32 @!p0 $0x1C02  }
0x168: {  	[timem:s3], [sflag:s2] =	dma.local @!p0 [hbm:s0], s1  }
0x169: {  	s0 =	simm.s32 @!p0 $0x2  }
0x16a: {  	_ =	swait.ge @!p0 [sflag:s0], s1  }
0x16b: {  	s1 =	ssub.s32 @!p0 $0x0, s1;
	[sflag:s0] =	ssyncset.done @!p0 $0x0  }
0x16c: {  	[sflag:s0] =	ssyncadd.s32 @!p0 s1  }
0x16d: {  	[bflag:$0x3] =	sbarrier.arrive $0xFFFF  }
0x16e: {  	_ =	shalt  }

</sc_bundles>
